<compile_context>
chip_gen: v7x
topology: tpu7x:2x2x1
jax: 0.10.2.dev20260603
libtpu: 0.0.44.dev20260713+nightly
codegen_flags: <defaults>
</compile_context>

<pallas_src>
import functools

import jax
import jax.numpy as jnp
from jax import lax
from jax.experimental import pallas as pl
from jax.experimental.pallas import tpu as pltpu
from jax.experimental.pallas import tpu_sc as plsc

V = 10000
E = 320000
D = 128

NC = 2
NS = 16
NW = NC * NS

R = 80
NBLK = E // R
BPW = NBLK // NW
ROWS_PW = BPW * R
V_PAD = 10240
VPT = V_PAD // NS


def _sc_partials(H, X_blocks, Z):

    @functools.partial(
        pl.kernel,
        out_type=jax.ShapeDtypeStruct((NC, V, D), jnp.float32),
        mesh=plsc.VectorSubcoreMesh(
            core_axis_name="c", subcore_axis_name="s"),
        scratch_types=[
            pltpu.VMEM((BPW, R), jnp.int32),
            [pltpu.VMEM((R, D), jnp.float32)] * 3,
            pltpu.VMEM_SHARED((V_PAD, D), jnp.float32),
            [pltpu.SemaphoreType.DMA] * 3,
            [pltpu.SemaphoreType.DMA] * 3,
        ],
    )
    def k(h_hbm, x_hbm, z_hbm, part_hbm, idx_v, bufs, acc_s, sem_g, sem_s):
        cid = lax.axis_index("c")
        sid = lax.axis_index("s")
        wid = cid * NS + sid
        wbase = wid * ROWS_PW

        for j in range(3):
            pltpu.async_copy(
                h_hbm.at[pl.ds(wbase + j * R, R)], bufs[j], sem_g[j])
        pltpu.sync_copy(z_hbm, acc_s.at[pl.ds(sid * VPT, VPT)])
        pltpu.sync_copy(x_hbm.at[wid], idx_v)
        plsc.subcore_barrier()

        def body(t, carry):
            for b in range(3):
                blk = 3 * t + b
                m = (b + 2) % 3

                @pl.when(blk < BPW)
                def _():
                    pltpu.make_async_copy(
                        h_hbm.at[pl.ds(0, R)], bufs[b], sem_g[b]).wait()
                    pltpu.async_copy(
                        bufs[b], acc_s.at[idx_v.at[blk]], sem_s[b], add=True)

                    @pl.when((blk >= 1) & (blk + 2 < BPW))
                    def _():
                        pltpu.make_async_copy(
                            bufs[m], acc_s.at[idx_v.at[0]], sem_s[m]).wait()
                        e0 = wbase + (blk + 2) * R
                        pltpu.async_copy(
                            h_hbm.at[pl.ds(e0, R)], bufs[m], sem_g[m])

            return carry

        lax.fori_loop(0, (BPW + 2) // 3, body, 0)
        for j in range(3):
            pltpu.make_async_copy(
                bufs[j], acc_s.at[idx_v.at[0]], sem_s[j]).wait()
        plsc.subcore_barrier()

        @pl.when(sid < NS - 1)
        def _():
            pltpu.sync_copy(
                acc_s.at[pl.ds(sid * VPT, VPT)],
                part_hbm.at[cid, pl.ds(sid * VPT, VPT)],
            )

        @pl.when(sid == NS - 1)
        def _():
            last = V - (NS - 1) * VPT
            pltpu.sync_copy(
                acc_s.at[pl.ds((NS - 1) * VPT, last)],
                part_hbm.at[cid, pl.ds((NS - 1) * VPT, last)],
            )

    return k(H, X_blocks, Z)


def _combine(parts):
    bv = 5000

    def body(p_ref, o_ref):
        o_ref[...] = p_ref[0] + p_ref[1]

    return pl.pallas_call(
        body,
        grid=(V // bv,),
        in_specs=[pl.BlockSpec((NC, bv, D), lambda i: (0, i, 0))],
        out_specs=pl.BlockSpec((bv, D), lambda i: (i, 0)),
        out_shape=jax.ShapeDtypeStruct((V, D), jnp.float32),
    )(parts)


def kernel(H, X_node):
    X_blocks = X_node.astype(jnp.int32).reshape(NW, BPW, R)
    Z = jnp.zeros((VPT, D), jnp.float32)
    parts = _sc_partials(H, X_blocks, Z)
    return _combine(parts)

# --- scband reference (transcript-rebuilt; emitter-appended) ---
"""Pipeline reference for scband-aggr-sum-13288628814370 (READ-ONLY COPY).

The authoritative reference and input builder live on the scoring server;
editing this copy changes nothing except your own understanding.
"""

import jax, jax.numpy as jnp
import numpy as np

V = 10000
E = 320000
D = 128

def setup_inputs(seed: int = 0) -> dict:
    key = jax.random.key(seed)
    k1, k2 = jax.random.split(key)
    H = jax.random.normal(k1, (E, D), dtype=jnp.float32)
    X_node = jnp.sort(jax.random.randint(k2, (E,), 0, V, dtype=jnp.int64))
    return {"H": H, "X_node": X_node}

def reference(H, X_node):
    # Original torch: mask[v, e] = (X_node[e] == v); out = mask @ H.
    # Mathematically identical to a per-segment sum over rows of H with
    # num_segments = V (rows of out for unused node ids are zero, matching mm).
    out = jax.ops.segment_sum(H, X_node, num_segments=V)
    return out

if __name__ == "__main__":
    import jax
    _d = setup_inputs()
    print(jax.jit(kernel)(*tuple(_d.values())))

</pallas_src>

<mosaic_0001>
#map = affine_map<(d0, d1) -> (0, 0)>
#map1 = affine_map<(d0, d1) -> (0, 0, 0)>
module attributes {stable_mosaic.version = 14 : i64} {
  func.func @k(%arg0: i32, %arg1: i32, %arg2: memref<320000x128xf32, #tpu.memory_space<hbm>>, %arg3: memref<32x125x80xi32, #tpu.memory_space<hbm>>, %arg4: memref<640x128xf32, #tpu.memory_space<hbm>>, %arg5: memref<2x10000x128xf32, #tpu.memory_space<hbm>>, %arg6: memref<125x80xi32, #tpu.memory_space<vmem>>, %arg7: memref<80x128xf32, #tpu.memory_space<vmem>>, %arg8: memref<80x128xf32, #tpu.memory_space<vmem>>, %arg9: memref<80x128xf32, #tpu.memory_space<vmem>>, %arg10: memref<10240x128xf32, #tpu.memory_space<vmem_shared>>, %arg11: memref<!tpu.dma_semaphore, #tpu.memory_space<semaphore_mem>>, %arg12: memref<!tpu.dma_semaphore, #tpu.memory_space<semaphore_mem>>, %arg13: memref<!tpu.dma_semaphore, #tpu.memory_space<semaphore_mem>>, %arg14: memref<!tpu.dma_semaphore, #tpu.memory_space<semaphore_mem>>, %arg15: memref<!tpu.dma_semaphore, #tpu.memory_space<semaphore_mem>>, %arg16: memref<!tpu.dma_semaphore, #tpu.memory_space<semaphore_mem>>) attributes {dimension_semantics = [#tpu.dimension_semantics<core_parallel>, #tpu.dimension_semantics<subcore_parallel>], iteration_bounds = array<i64: 2, 16>, scalar_prefetch = 0 : i64, scratch_operands = 11 : i64, tpu.core_type = #tpu.core_type<sc_vector_subcore>, window_params = [{transform_indices = #map}, {transform_indices = #map1}, {transform_indices = #map}, {transform_indices = #map1}]} {
    %mul3A = arith.constant 16 : i32
    %mul3A_0 = arith.muli %arg0, %mul3A : i32
    %add3A = arith.addi %mul3A_0, %arg1 : i32
    %mul3A_1 = arith.constant 10000 : i32
    %mul3A_2 = arith.muli %add3A, %mul3A_1 : i32
    %add3A_3 = arith.constant 0 : i32
    %add3A_4 = arith.addi %mul3A_2, %add3A_3 : i32
    %dma_start3A = arith.constant 0 : i32
    %dma_start3A_5 = tpu.memref_slice %arg2[%add3A_4, %dma_start3A] : memref<320000x128xf32, #tpu.memory_space<hbm>> -> memref<80x128xf32, #tpu.memory_space<hbm>>
    %dma_start3A_6 = arith.constant 0 : i32
    %dma_start3A_7 = tpu.memref_slice %arg2[%add3A_4, %dma_start3A_6] : memref<320000x128xf32, #tpu.memory_space<hbm>> -> memref<80x128xf32, #tpu.memory_space<hbm>>
    tpu.enqueue_dma source(%dma_start3A_7 : memref<80x128xf32, #tpu.memory_space<hbm>>) target(%arg7 : memref<80x128xf32, #tpu.memory_space<vmem>>) target_semaphore(%arg11 : memref<!tpu.dma_semaphore, #tpu.memory_space<semaphore_mem>>)
    %add3A_8 = arith.constant 80 : i32
    %add3A_9 = arith.addi %mul3A_2, %add3A_8 : i32
    %dma_start3A_10 = arith.constant 0 : i32
    %dma_start3A_11 = tpu.memref_slice %arg2[%add3A_9, %dma_start3A_10] : memref<320000x128xf32, #tpu.memory_space<hbm>> -> memref<80x128xf32, #tpu.memory_space<hbm>>
    %dma_start3A_12 = arith.constant 0 : i32
    %dma_start3A_13 = tpu.memref_slice %arg2[%add3A_9, %dma_start3A_12] : memref<320000x128xf32, #tpu.memory_space<hbm>> -> memref<80x128xf32, #tpu.memory_space<hbm>>
    tpu.enqueue_dma source(%dma_start3A_13 : memref<80x128xf32, #tpu.memory_space<hbm>>) target(%arg8 : memref<80x128xf32, #tpu.memory_space<vmem>>) target_semaphore(%arg12 : memref<!tpu.dma_semaphore, #tpu.memory_space<semaphore_mem>>)
    %add3A_14 = arith.constant 160 : i32
    %add3A_15 = arith.addi %mul3A_2, %add3A_14 : i32
    %dma_start3A_16 = arith.constant 0 : i32
    %dma_start3A_17 = tpu.memref_slice %arg2[%add3A_15, %dma_start3A_16] : memref<320000x128xf32, #tpu.memory_space<hbm>> -> memref<80x128xf32, #tpu.memory_space<hbm>>
    %dma_start3A_18 = arith.constant 0 : i32
    %dma_start3A_19 = tpu.memref_slice %arg2[%add3A_15, %dma_start3A_18] : memref<320000x128xf32, #tpu.memory_space<hbm>> -> memref<80x128xf32, #tpu.memory_space<hbm>>
    tpu.enqueue_dma source(%dma_start3A_19 : memref<80x128xf32, #tpu.memory_space<hbm>>) target(%arg9 : memref<80x128xf32, #tpu.memory_space<vmem>>) target_semaphore(%arg13 : memref<!tpu.dma_semaphore, #tpu.memory_space<semaphore_mem>>)
    %mul3A_20 = arith.constant 640 : i32
    %mul3A_21 = arith.muli %arg1, %mul3A_20 : i32
    "tpu.region"() ({
      %run_scoped3A = tpu.sem_alloc : memref<!tpu.dma_semaphore, #tpu.memory_space<semaphore_mem>>
      %dma_start3A_54 = arith.constant 0 : i32
      %dma_start3A_55 = tpu.memref_slice %arg10[%mul3A_21, %dma_start3A_54] : memref<10240x128xf32, #tpu.memory_space<vmem_shared>> -> memref<640x128xf32, #tpu.memory_space<vmem_shared>>
      tpu.enqueue_dma source(%arg4 : memref<640x128xf32, #tpu.memory_space<hbm>>) target(%dma_start3A_55 : memref<640x128xf32, #tpu.memory_space<vmem_shared>>) target_semaphore(%run_scoped3A : memref<!tpu.dma_semaphore, #tpu.memory_space<semaphore_mem>>)
      %dma_wait3A_56 = arith.constant 0 : i32
      %dma_wait3A_57 = tpu.memref_slice %arg10[%mul3A_21, %dma_wait3A_56] : memref<10240x128xf32, #tpu.memory_space<vmem_shared>> -> memref<640x128xf32, #tpu.memory_space<vmem_shared>>
      tpu.wait_dma2 semaphore(%run_scoped3A : memref<!tpu.dma_semaphore, #tpu.memory_space<semaphore_mem>>) src(%arg4 : memref<640x128xf32, #tpu.memory_space<hbm>>) dst(%dma_wait3A_57 : memref<640x128xf32, #tpu.memory_space<vmem_shared>>)
      tpu.yield
    }) : () -> ()
    "tpu.region"() ({
      %run_scoped3A = tpu.sem_alloc : memref<!tpu.dma_semaphore, #tpu.memory_space<semaphore_mem>>
      %dma_start3A_54 = arith.constant 0 : i32
      %dma_start3A_55 = arith.constant 0 : i32
      %dma_start3A_56 = tpu.memref_slice %arg3[%add3A, %dma_start3A_54, %dma_start3A_55] : memref<32x125x80xi32, #tpu.memory_space<hbm>> -> memref<1x125x80xi32, #tpu.memory_space<hbm>>
      %dma_start3A_57 = tpu.memref_squeeze %dma_start3A_56 : memref<1x125x80xi32, #tpu.memory_space<hbm>> -> memref<125x80xi32, #tpu.memory_space<hbm>>
      %dma_start3A_58 = arith.constant 0 : i32
      %dma_start3A_59 = arith.constant 0 : i32
      %dma_start3A_60 = tpu.memref_slice %arg3[%add3A, %dma_start3A_58, %dma_start3A_59] : memref<32x125x80xi32, #tpu.memory_space<hbm>> -> memref<1x125x80xi32, #tpu.memory_space<hbm>>
      %dma_start3A_61 = tpu.memref_squeeze %dma_start3A_60 : memref<1x125x80xi32, #tpu.memory_space<hbm>> -> memref<125x80xi32, #tpu.memory_space<hbm>>
      tpu.enqueue_dma source(%dma_start3A_61 : memref<125x80xi32, #tpu.memory_space<hbm>>) target(%arg6 : memref<125x80xi32, #tpu.memory_space<vmem>>) target_semaphore(%run_scoped3A : memref<!tpu.dma_semaphore, #tpu.memory_space<semaphore_mem>>)
      %dma_wait3A_62 = arith.constant 0 : i32
      %dma_wait3A_63 = arith.constant 0 : i32
      %dma_wait3A_64 = tpu.memref_slice %arg3[%add3A, %dma_wait3A_62, %dma_wait3A_63] : memref<32x125x80xi32, #tpu.memory_space<hbm>> -> memref<1x125x80xi32, #tpu.memory_space<hbm>>
      %dma_wait3A_65 = tpu.memref_squeeze %dma_wait3A_64 : memref<1x125x80xi32, #tpu.memory_space<hbm>> -> memref<125x80xi32, #tpu.memory_space<hbm>>
      %dma_wait3A_66 = arith.constant 0 : i32
      %dma_wait3A_67 = arith.constant 0 : i32
      %dma_wait3A_68 = tpu.memref_slice %arg3[%add3A, %dma_wait3A_66, %dma_wait3A_67] : memref<32x125x80xi32, #tpu.memory_space<hbm>> -> memref<1x125x80xi32, #tpu.memory_space<hbm>>
      %dma_wait3A_69 = tpu.memref_squeeze %dma_wait3A_68 : memref<1x125x80xi32, #tpu.memory_space<hbm>> -> memref<125x80xi32, #tpu.memory_space<hbm>>
      tpu.wait_dma2 semaphore(%run_scoped3A : memref<!tpu.dma_semaphore, #tpu.memory_space<semaphore_mem>>) src(%dma_wait3A_69 : memref<125x80xi32, #tpu.memory_space<hbm>>) dst(%arg6 : memref<125x80xi32, #tpu.memory_space<vmem>>)
      tpu.yield
    }) : () -> ()
    %barrier3A = arith.constant 0 : index
    tpu.barrier barrier_id(%barrier3A)
    %scan3A = arith.constant 0 : i32
    %scan3A_22 = arith.constant 0 : i32
    %scan3A_23 = arith.constant 42 : i32
    %scan3A_24 = arith.addi %scan3A_22, %scan3A_23 : i32
    %scan3A_25 = arith.constant 1 : i32
    scf.for %scan3A_54 = %scan3A_22 to %scan3A_24 step %scan3A_25  : i32 {
      %mul3A_55 = arith.constant 3 : i32
      %mul3A_56 = arith.muli %mul3A_55, %scan3A_54 : i32
      %add3A_57 = arith.constant 0 : i32
      %add3A_58 = arith.addi %mul3A_56, %add3A_57 : i32
      %lt3A_59 = arith.constant 125 : i32
      %lt3A_60 = arith.cmpi slt, %add3A_58, %lt3A_59 : i32
      %convert_element_type3A_61 = arith.extui %lt3A_60 : i1 to i32
      %cond3A_62 = arith.constant 0 : i32
      %cond3A_63 = arith.cmpi ne, %convert_element_type3A_61, %cond3A_62 : i32
      scf.if %cond3A_63 {
        %dma_wait3A_82 = arith.constant 0 : i32
        %dma_wait3A_83 = arith.constant 0 : i32
        %dma_wait3A_84 = tpu.memref_slice %arg2[%dma_wait3A_82, %dma_wait3A_83] : memref<320000x128xf32, #tpu.memory_space<hbm>> -> memref<80x128xf32, #tpu.memory_space<hbm>>
        %dma_wait3A_85 = arith.constant 0 : i32
        %dma_wait3A_86 = arith.constant 0 : i32
        %dma_wait3A_87 = tpu.memref_slice %arg2[%dma_wait3A_85, %dma_wait3A_86] : memref<320000x128xf32, #tpu.memory_space<hbm>> -> memref<80x128xf32, #tpu.memory_space<hbm>>
        tpu.wait_dma2 semaphore(%arg11 : memref<!tpu.dma_semaphore, #tpu.memory_space<semaphore_mem>>) src(%dma_wait3A_87 : memref<80x128xf32, #tpu.memory_space<hbm>>) dst(%arg7 : memref<80x128xf32, #tpu.memory_space<vmem>>)
        %dma_start3A_88 = arith.constant 0 : i32
        %dma_start3A_89 = tpu.memref_slice %arg6[%add3A_58, %dma_start3A_88] : memref<125x80xi32, #tpu.memory_space<vmem>> -> memref<1x80xi32, #tpu.memory_space<vmem>>
        %dma_start3A_90 = tpu.memref_squeeze %dma_start3A_89 : memref<1x80xi32, #tpu.memory_space<vmem>> -> memref<80xi32, #tpu.memory_space<vmem>>
        %dma_start3A_91 = arith.constant 0 : i32
        %dma_start3A_92 = arith.constant 0 : i32
        %dma_start3A_93 = tpu.memref_slice %arg10[%dma_start3A_91, %dma_start3A_92] : memref<10240x128xf32, #tpu.memory_space<vmem_shared>> -> memref<10240x128xf32, #tpu.memory_space<vmem_shared>>
        tpu.enqueue_indirect_dma source(%arg7 : memref<80x128xf32, #tpu.memory_space<vmem>>) target(%dma_start3A_93 : memref<10240x128xf32, #tpu.memory_space<vmem_shared>>) offsets(%dma_start3A_90 : memref<80xi32, #tpu.memory_space<vmem>>) semaphore(%arg14 : memref<!tpu.dma_semaphore, #tpu.memory_space<semaphore_mem>>) {add = true}
        %ge3A = arith.constant 1 : i32
        %ge3A_94 = arith.cmpi sge, %add3A_58, %ge3A : i32
        %add3A_95 = arith.constant 2 : i32
        %add3A_96 = arith.addi %add3A_58, %add3A_95 : i32
        %lt3A_97 = arith.constant 125 : i32
        %lt3A_98 = arith.cmpi slt, %add3A_96, %lt3A_97 : i32
        %and3A = arith.andi %ge3A_94, %lt3A_98 : i1
        %convert_element_type3A_99 = arith.extui %and3A : i1 to i32
        %cond3A_100 = arith.constant 0 : i32
        %cond3A_101 = arith.cmpi ne, %convert_element_type3A_99, %cond3A_100 : i32
        scf.if %cond3A_101 {
          %dma_wait3A_102 = arith.constant 0 : i32
          %dma_wait3A_103 = arith.constant 0 : i32
          %dma_wait3A_104 = tpu.memref_slice %arg6[%dma_wait3A_102, %dma_wait3A_103] : memref<125x80xi32, #tpu.memory_space<vmem>> -> memref<1x80xi32, #tpu.memory_space<vmem>>
          %dma_wait3A_105 = tpu.memref_squeeze %dma_wait3A_104 : memref<1x80xi32, #tpu.memory_space<vmem>> -> memref<80xi32, #tpu.memory_space<vmem>>
          %dma_wait3A_106 = arith.constant 0 : i32
          %dma_wait3A_107 = arith.constant 0 : i32
          %dma_wait3A_108 = tpu.memref_slice %arg10[%dma_wait3A_106, %dma_wait3A_107] : memref<10240x128xf32, #tpu.memory_space<vmem_shared>> -> memref<10240x128xf32, #tpu.memory_space<vmem_shared>>
          tpu.wait_indirect_dma semaphore(%arg16 : memref<!tpu.dma_semaphore, #tpu.memory_space<semaphore_mem>>) src(%arg9 : memref<80x128xf32, #tpu.memory_space<vmem>>) dst(%dma_wait3A_108 : memref<10240x128xf32, #tpu.memory_space<vmem_shared>>)
          %add3A_109 = arith.constant 2 : i32
          %add3A_110 = arith.addi %add3A_58, %add3A_109 : i32
          %mul3A_111 = arith.constant 80 : i32
          %mul3A_112 = arith.muli %add3A_110, %mul3A_111 : i32
          %add3A_113 = arith.addi %mul3A_2, %mul3A_112 : i32
          %dma_start3A_114 = arith.constant 0 : i32
          %dma_start3A_115 = tpu.memref_slice %arg2[%add3A_113, %dma_start3A_114] : memref<320000x128xf32, #tpu.memory_space<hbm>> -> memref<80x128xf32, #tpu.memory_space<hbm>>
          %dma_start3A_116 = arith.constant 0 : i32
          %dma_start3A_117 = tpu.memref_slice %arg2[%add3A_113, %dma_start3A_116] : memref<320000x128xf32, #tpu.memory_space<hbm>> -> memref<80x128xf32, #tpu.memory_space<hbm>>
          tpu.enqueue_dma source(%dma_start3A_117 : memref<80x128xf32, #tpu.memory_space<hbm>>) target(%arg9 : memref<80x128xf32, #tpu.memory_space<vmem>>) target_semaphore(%arg13 : memref<!tpu.dma_semaphore, #tpu.memory_space<semaphore_mem>>)
        } else {
        }
      } else {
      }
      %mul3A_64 = arith.constant 3 : i32
      %mul3A_65 = arith.muli %mul3A_64, %scan3A_54 : i32
      %add3A_66 = arith.constant 1 : i32
      %add3A_67 = arith.addi %mul3A_65, %add3A_66 : i32
      %lt3A_68 = arith.constant 125 : i32
      %lt3A_69 = arith.cmpi slt, %add3A_67, %lt3A_68 : i32
      %convert_element_type3A_70 = arith.extui %lt3A_69 : i1 to i32
      %cond3A_71 = arith.constant 0 : i32
      %cond3A_72 = arith.cmpi ne, %convert_element_type3A_70, %cond3A_71 : i32
      scf.if %cond3A_72 {
        %dma_wait3A_82 = arith.constant 0 : i32
        %dma_wait3A_83 = arith.constant 0 : i32
        %dma_wait3A_84 = tpu.memref_slice %arg2[%dma_wait3A_82, %dma_wait3A_83] : memref<320000x128xf32, #tpu.memory_space<hbm>> -> memref<80x128xf32, #tpu.memory_space<hbm>>
        %dma_wait3A_85 = arith.constant 0 : i32
        %dma_wait3A_86 = arith.constant 0 : i32
        %dma_wait3A_87 = tpu.memref_slice %arg2[%dma_wait3A_85, %dma_wait3A_86] : memref<320000x128xf32, #tpu.memory_space<hbm>> -> memref<80x128xf32, #tpu.memory_space<hbm>>
        tpu.wait_dma2 semaphore(%arg12 : memref<!tpu.dma_semaphore, #tpu.memory_space<semaphore_mem>>) src(%dma_wait3A_87 : memref<80x128xf32, #tpu.memory_space<hbm>>) dst(%arg8 : memref<80x128xf32, #tpu.memory_space<vmem>>)
        %dma_start3A_88 = arith.constant 0 : i32
        %dma_start3A_89 = tpu.memref_slice %arg6[%add3A_67, %dma_start3A_88] : memref<125x80xi32, #tpu.memory_space<vmem>> -> memref<1x80xi32, #tpu.memory_space<vmem>>
        %dma_start3A_90 = tpu.memref_squeeze %dma_start3A_89 : memref<1x80xi32, #tpu.memory_space<vmem>> -> memref<80xi32, #tpu.memory_space<vmem>>
        %dma_start3A_91 = arith.constant 0 : i32
        %dma_start3A_92 = arith.constant 0 : i32
        %dma_start3A_93 = tpu.memref_slice %arg10[%dma_start3A_91, %dma_start3A_92] : memref<10240x128xf32, #tpu.memory_space<vmem_shared>> -> memref<10240x128xf32, #tpu.memory_space<vmem_shared>>
        tpu.enqueue_indirect_dma source(%arg8 : memref<80x128xf32, #tpu.memory_space<vmem>>) target(%dma_start3A_93 : memref<10240x128xf32, #tpu.memory_space<vmem_shared>>) offsets(%dma_start3A_90 : memref<80xi32, #tpu.memory_space<vmem>>) semaphore(%arg15 : memref<!tpu.dma_semaphore, #tpu.memory_space<semaphore_mem>>) {add = true}
        %ge3A = arith.constant 1 : i32
        %ge3A_94 = arith.cmpi sge, %add3A_67, %ge3A : i32
        %add3A_95 = arith.constant 2 : i32
        %add3A_96 = arith.addi %add3A_67, %add3A_95 : i32
        %lt3A_97 = arith.constant 125 : i32
        %lt3A_98 = arith.cmpi slt, %add3A_96, %lt3A_97 : i32
        %and3A = arith.andi %ge3A_94, %lt3A_98 : i1
        %convert_element_type3A_99 = arith.extui %and3A : i1 to i32
        %cond3A_100 = arith.constant 0 : i32
        %cond3A_101 = arith.cmpi ne, %convert_element_type3A_99, %cond3A_100 : i32
        scf.if %cond3A_101 {
          %dma_wait3A_102 = arith.constant 0 : i32
          %dma_wait3A_103 = arith.constant 0 : i32
          %dma_wait3A_104 = tpu.memref_slice %arg6[%dma_wait3A_102, %dma_wait3A_103] : memref<125x80xi32, #tpu.memory_space<vmem>> -> memref<1x80xi32, #tpu.memory_space<vmem>>
          %dma_wait3A_105 = tpu.memref_squeeze %dma_wait3A_104 : memref<1x80xi32, #tpu.memory_space<vmem>> -> memref<80xi32, #tpu.memory_space<vmem>>
          %dma_wait3A_106 = arith.constant 0 : i32
          %dma_wait3A_107 = arith.constant 0 : i32
          %dma_wait3A_108 = tpu.memref_slice %arg10[%dma_wait3A_106, %dma_wait3A_107] : memref<10240x128xf32, #tpu.memory_space<vmem_shared>> -> memref<10240x128xf32, #tpu.memory_space<vmem_shared>>
          tpu.wait_indirect_dma semaphore(%arg14 : memref<!tpu.dma_semaphore, #tpu.memory_space<semaphore_mem>>) src(%arg7 : memref<80x128xf32, #tpu.memory_space<vmem>>) dst(%dma_wait3A_108 : memref<10240x128xf32, #tpu.memory_space<vmem_shared>>)
          %add3A_109 = arith.constant 2 : i32
          %add3A_110 = arith.addi %add3A_67, %add3A_109 : i32
          %mul3A_111 = arith.constant 80 : i32
          %mul3A_112 = arith.muli %add3A_110, %mul3A_111 : i32
          %add3A_113 = arith.addi %mul3A_2, %mul3A_112 : i32
          %dma_start3A_114 = arith.constant 0 : i32
          %dma_start3A_115 = tpu.memref_slice %arg2[%add3A_113, %dma_start3A_114] : memref<320000x128xf32, #tpu.memory_space<hbm>> -> memref<80x128xf32, #tpu.memory_space<hbm>>
          %dma_start3A_116 = arith.constant 0 : i32
          %dma_start3A_117 = tpu.memref_slice %arg2[%add3A_113, %dma_start3A_116] : memref<320000x128xf32, #tpu.memory_space<hbm>> -> memref<80x128xf32, #tpu.memory_space<hbm>>
          tpu.enqueue_dma source(%dma_start3A_117 : memref<80x128xf32, #tpu.memory_space<hbm>>) target(%arg7 : memref<80x128xf32, #tpu.memory_space<vmem>>) target_semaphore(%arg11 : memref<!tpu.dma_semaphore, #tpu.memory_space<semaphore_mem>>)
        } else {
        }
      } else {
      }
      %mul3A_73 = arith.constant 3 : i32
      %mul3A_74 = arith.muli %mul3A_73, %scan3A_54 : i32
      %add3A_75 = arith.constant 2 : i32
      %add3A_76 = arith.addi %mul3A_74, %add3A_75 : i32
      %lt3A_77 = arith.constant 125 : i32
      %lt3A_78 = arith.cmpi slt, %add3A_76, %lt3A_77 : i32
      %convert_element_type3A_79 = arith.extui %lt3A_78 : i1 to i32
      %cond3A_80 = arith.constant 0 : i32
      %cond3A_81 = arith.cmpi ne, %convert_element_type3A_79, %cond3A_80 : i32
      scf.if %cond3A_81 {
        %dma_wait3A_82 = arith.constant 0 : i32
        %dma_wait3A_83 = arith.constant 0 : i32
        %dma_wait3A_84 = tpu.memref_slice %arg2[%dma_wait3A_82, %dma_wait3A_83] : memref<320000x128xf32, #tpu.memory_space<hbm>> -> memref<80x128xf32, #tpu.memory_space<hbm>>
        %dma_wait3A_85 = arith.constant 0 : i32
        %dma_wait3A_86 = arith.constant 0 : i32
        %dma_wait3A_87 = tpu.memref_slice %arg2[%dma_wait3A_85, %dma_wait3A_86] : memref<320000x128xf32, #tpu.memory_space<hbm>> -> memref<80x128xf32, #tpu.memory_space<hbm>>
        tpu.wait_dma2 semaphore(%arg13 : memref<!tpu.dma_semaphore, #tpu.memory_space<semaphore_mem>>) src(%dma_wait3A_87 : memref<80x128xf32, #tpu.memory_space<hbm>>) dst(%arg9 : memref<80x128xf32, #tpu.memory_space<vmem>>)
        %dma_start3A_88 = arith.constant 0 : i32
        %dma_start3A_89 = tpu.memref_slice %arg6[%add3A_76, %dma_start3A_88] : memref<125x80xi32, #tpu.memory_space<vmem>> -> memref<1x80xi32, #tpu.memory_space<vmem>>
        %dma_start3A_90 = tpu.memref_squeeze %dma_start3A_89 : memref<1x80xi32, #tpu.memory_space<vmem>> -> memref<80xi32, #tpu.memory_space<vmem>>
        %dma_start3A_91 = arith.constant 0 : i32
        %dma_start3A_92 = arith.constant 0 : i32
        %dma_start3A_93 = tpu.memref_slice %arg10[%dma_start3A_91, %dma_start3A_92] : memref<10240x128xf32, #tpu.memory_space<vmem_shared>> -> memref<10240x128xf32, #tpu.memory_space<vmem_shared>>
        tpu.enqueue_indirect_dma source(%arg9 : memref<80x128xf32, #tpu.memory_space<vmem>>) target(%dma_start3A_93 : memref<10240x128xf32, #tpu.memory_space<vmem_shared>>) offsets(%dma_start3A_90 : memref<80xi32, #tpu.memory_space<vmem>>) semaphore(%arg16 : memref<!tpu.dma_semaphore, #tpu.memory_space<semaphore_mem>>) {add = true}
        %ge3A = arith.constant 1 : i32
        %ge3A_94 = arith.cmpi sge, %add3A_76, %ge3A : i32
        %add3A_95 = arith.constant 2 : i32
        %add3A_96 = arith.addi %add3A_76, %add3A_95 : i32
        %lt3A_97 = arith.constant 125 : i32
        %lt3A_98 = arith.cmpi slt, %add3A_96, %lt3A_97 : i32
        %and3A = arith.andi %ge3A_94, %lt3A_98 : i1
        %convert_element_type3A_99 = arith.extui %and3A : i1 to i32
        %cond3A_100 = arith.constant 0 : i32
        %cond3A_101 = arith.cmpi ne, %convert_element_type3A_99, %cond3A_100 : i32
        scf.if %cond3A_101 {
          %dma_wait3A_102 = arith.constant 0 : i32
          %dma_wait3A_103 = arith.constant 0 : i32
          %dma_wait3A_104 = tpu.memref_slice %arg6[%dma_wait3A_102, %dma_wait3A_103] : memref<125x80xi32, #tpu.memory_space<vmem>> -> memref<1x80xi32, #tpu.memory_space<vmem>>
          %dma_wait3A_105 = tpu.memref_squeeze %dma_wait3A_104 : memref<1x80xi32, #tpu.memory_space<vmem>> -> memref<80xi32, #tpu.memory_space<vmem>>
          %dma_wait3A_106 = arith.constant 0 : i32
          %dma_wait3A_107 = arith.constant 0 : i32
          %dma_wait3A_108 = tpu.memref_slice %arg10[%dma_wait3A_106, %dma_wait3A_107] : memref<10240x128xf32, #tpu.memory_space<vmem_shared>> -> memref<10240x128xf32, #tpu.memory_space<vmem_shared>>
          tpu.wait_indirect_dma semaphore(%arg15 : memref<!tpu.dma_semaphore, #tpu.memory_space<semaphore_mem>>) src(%arg8 : memref<80x128xf32, #tpu.memory_space<vmem>>) dst(%dma_wait3A_108 : memref<10240x128xf32, #tpu.memory_space<vmem_shared>>)
          %add3A_109 = arith.constant 2 : i32
          %add3A_110 = arith.addi %add3A_76, %add3A_109 : i32
          %mul3A_111 = arith.constant 80 : i32
          %mul3A_112 = arith.muli %add3A_110, %mul3A_111 : i32
          %add3A_113 = arith.addi %mul3A_2, %mul3A_112 : i32
          %dma_start3A_114 = arith.constant 0 : i32
          %dma_start3A_115 = tpu.memref_slice %arg2[%add3A_113, %dma_start3A_114] : memref<320000x128xf32, #tpu.memory_space<hbm>> -> memref<80x128xf32, #tpu.memory_space<hbm>>
          %dma_start3A_116 = arith.constant 0 : i32
          %dma_start3A_117 = tpu.memref_slice %arg2[%add3A_113, %dma_start3A_116] : memref<320000x128xf32, #tpu.memory_space<hbm>> -> memref<80x128xf32, #tpu.memory_space<hbm>>
          tpu.enqueue_dma source(%dma_start3A_117 : memref<80x128xf32, #tpu.memory_space<hbm>>) target(%arg8 : memref<80x128xf32, #tpu.memory_space<vmem>>) target_semaphore(%arg12 : memref<!tpu.dma_semaphore, #tpu.memory_space<semaphore_mem>>)
        } else {
        }
      } else {
      }
    }
    %scan3A_26 = arith.constant 42 : i32
    %dma_wait3A = arith.constant 0 : i32
    %dma_wait3A_27 = arith.constant 0 : i32
    %dma_wait3A_28 = tpu.memref_slice %arg6[%dma_wait3A, %dma_wait3A_27] : memref<125x80xi32, #tpu.memory_space<vmem>> -> memref<1x80xi32, #tpu.memory_space<vmem>>
    %dma_wait3A_29 = tpu.memref_squeeze %dma_wait3A_28 : memref<1x80xi32, #tpu.memory_space<vmem>> -> memref<80xi32, #tpu.memory_space<vmem>>
    %dma_wait3A_30 = arith.constant 0 : i32
    %dma_wait3A_31 = arith.constant 0 : i32
    %dma_wait3A_32 = tpu.memref_slice %arg10[%dma_wait3A_30, %dma_wait3A_31] : memref<10240x128xf32, #tpu.memory_space<vmem_shared>> -> memref<10240x128xf32, #tpu.memory_space<vmem_shared>>
    tpu.wait_indirect_dma semaphore(%arg14 : memref<!tpu.dma_semaphore, #tpu.memory_space<semaphore_mem>>) src(%arg7 : memref<80x128xf32, #tpu.memory_space<vmem>>) dst(%dma_wait3A_32 : memref<10240x128xf32, #tpu.memory_space<vmem_shared>>)
    %dma_wait3A_33 = arith.constant 0 : i32
    %dma_wait3A_34 = arith.constant 0 : i32
    %dma_wait3A_35 = tpu.memref_slice %arg6[%dma_wait3A_33, %dma_wait3A_34] : memref<125x80xi32, #tpu.memory_space<vmem>> -> memref<1x80xi32, #tpu.memory_space<vmem>>
    %dma_wait3A_36 = tpu.memref_squeeze %dma_wait3A_35 : memref<1x80xi32, #tpu.memory_space<vmem>> -> memref<80xi32, #tpu.memory_space<vmem>>
    %dma_wait3A_37 = arith.constant 0 : i32
    %dma_wait3A_38 = arith.constant 0 : i32
    %dma_wait3A_39 = tpu.memref_slice %arg10[%dma_wait3A_37, %dma_wait3A_38] : memref<10240x128xf32, #tpu.memory_space<vmem_shared>> -> memref<10240x128xf32, #tpu.memory_space<vmem_shared>>
    tpu.wait_indirect_dma semaphore(%arg15 : memref<!tpu.dma_semaphore, #tpu.memory_space<semaphore_mem>>) src(%arg8 : memref<80x128xf32, #tpu.memory_space<vmem>>) dst(%dma_wait3A_39 : memref<10240x128xf32, #tpu.memory_space<vmem_shared>>)
    %dma_wait3A_40 = arith.constant 0 : i32
    %dma_wait3A_41 = arith.constant 0 : i32
    %dma_wait3A_42 = tpu.memref_slice %arg6[%dma_wait3A_40, %dma_wait3A_41] : memref<125x80xi32, #tpu.memory_space<vmem>> -> memref<1x80xi32, #tpu.memory_space<vmem>>
    %dma_wait3A_43 = tpu.memref_squeeze %dma_wait3A_42 : memref<1x80xi32, #tpu.memory_space<vmem>> -> memref<80xi32, #tpu.memory_space<vmem>>
    %dma_wait3A_44 = arith.constant 0 : i32
    %dma_wait3A_45 = arith.constant 0 : i32
    %dma_wait3A_46 = tpu.memref_slice %arg10[%dma_wait3A_44, %dma_wait3A_45] : memref<10240x128xf32, #tpu.memory_space<vmem_shared>> -> memref<10240x128xf32, #tpu.memory_space<vmem_shared>>
    tpu.wait_indirect_dma semaphore(%arg16 : memref<!tpu.dma_semaphore, #tpu.memory_space<semaphore_mem>>) src(%arg9 : memref<80x128xf32, #tpu.memory_space<vmem>>) dst(%dma_wait3A_46 : memref<10240x128xf32, #tpu.memory_space<vmem_shared>>)
    %barrier3A_47 = arith.constant 0 : index
    tpu.barrier barrier_id(%barrier3A_47)
    %lt3A = arith.constant 15 : i32
    %lt3A_48 = arith.cmpi slt, %arg1, %lt3A : i32
    %convert_element_type3A = arith.extui %lt3A_48 : i1 to i32
    %cond3A = arith.constant 0 : i32
    %cond3A_49 = arith.cmpi ne, %convert_element_type3A, %cond3A : i32
    scf.if %cond3A_49 {
      %mul3A_54 = arith.constant 640 : i32
      %mul3A_55 = arith.muli %arg1, %mul3A_54 : i32
      %mul3A_56 = arith.constant 640 : i32
      %mul3A_57 = arith.muli %arg1, %mul3A_56 : i32
      "tpu.region"() ({
        %run_scoped3A = tpu.sem_alloc : memref<!tpu.dma_semaphore, #tpu.memory_space<semaphore_mem>>
        %dma_start3A_58 = arith.constant 0 : i32
        %dma_start3A_59 = tpu.memref_slice %arg5[%arg0, %mul3A_57, %dma_start3A_58] : memref<2x10000x128xf32, #tpu.memory_space<hbm>> -> memref<1x640x128xf32, #tpu.memory_space<hbm>>
        %dma_start3A_60 = tpu.memref_squeeze %dma_start3A_59 : memref<1x640x128xf32, #tpu.memory_space<hbm>> -> memref<640x128xf32, #tpu.memory_space<hbm>>
        %dma_start3A_61 = arith.constant 0 : i32
        %dma_start3A_62 = tpu.memref_slice %arg10[%mul3A_55, %dma_start3A_61] : memref<10240x128xf32, #tpu.memory_space<vmem_shared>> -> memref<640x128xf32, #tpu.memory_space<vmem_shared>>
        tpu.enqueue_dma source(%dma_start3A_62 : memref<640x128xf32, #tpu.memory_space<vmem_shared>>) target(%dma_start3A_60 : memref<640x128xf32, #tpu.memory_space<hbm>>) target_semaphore(%run_scoped3A : memref<!tpu.dma_semaphore, #tpu.memory_space<semaphore_mem>>)
        %dma_wait3A_63 = arith.constant 0 : i32
        %dma_wait3A_64 = tpu.memref_slice %arg5[%arg0, %mul3A_57, %dma_wait3A_63] : memref<2x10000x128xf32, #tpu.memory_space<hbm>> -> memref<1x640x128xf32, #tpu.memory_space<hbm>>
        %dma_wait3A_65 = tpu.memref_squeeze %dma_wait3A_64 : memref<1x640x128xf32, #tpu.memory_space<hbm>> -> memref<640x128xf32, #tpu.memory_space<hbm>>
        %dma_wait3A_66 = arith.constant 0 : i32
        %dma_wait3A_67 = tpu.memref_slice %arg10[%mul3A_55, %dma_wait3A_66] : memref<10240x128xf32, #tpu.memory_space<vmem_shared>> -> memref<640x128xf32, #tpu.memory_space<vmem_shared>>
        tpu.wait_dma2 semaphore(%run_scoped3A : memref<!tpu.dma_semaphore, #tpu.memory_space<semaphore_mem>>) src(%dma_wait3A_67 : memref<640x128xf32, #tpu.memory_space<vmem_shared>>) dst(%dma_wait3A_65 : memref<640x128xf32, #tpu.memory_space<hbm>>)
        tpu.yield
      }) : () -> ()
    } else {
    }
    %eq3A = arith.constant 15 : i32
    %eq3A_50 = arith.cmpi eq, %arg1, %eq3A : i32
    %convert_element_type3A_51 = arith.extui %eq3A_50 : i1 to i32
    %cond3A_52 = arith.constant 0 : i32
    %cond3A_53 = arith.cmpi ne, %convert_element_type3A_51, %cond3A_52 : i32
    scf.if %cond3A_53 {
      "tpu.region"() ({
        %run_scoped3A = tpu.sem_alloc : memref<!tpu.dma_semaphore, #tpu.memory_space<semaphore_mem>>
        %dma_start3A_54 = arith.constant 9600 : i32
        %dma_start3A_55 = arith.constant 0 : i32
        %dma_start3A_56 = tpu.memref_slice %arg5[%arg0, %dma_start3A_54, %dma_start3A_55] : memref<2x10000x128xf32, #tpu.memory_space<hbm>> -> memref<1x400x128xf32, #tpu.memory_space<hbm>>
        %dma_start3A_57 = tpu.memref_squeeze %dma_start3A_56 : memref<1x400x128xf32, #tpu.memory_space<hbm>> -> memref<400x128xf32, #tpu.memory_space<hbm>>
        %dma_start3A_58 = arith.constant 9600 : i32
        %dma_start3A_59 = arith.constant 0 : i32
        %dma_start3A_60 = tpu.memref_slice %arg10[%dma_start3A_58, %dma_start3A_59] : memref<10240x128xf32, #tpu.memory_space<vmem_shared>> -> memref<400x128xf32, #tpu.memory_space<vmem_shared>>
        tpu.enqueue_dma source(%dma_start3A_60 : memref<400x128xf32, #tpu.memory_space<vmem_shared>>) target(%dma_start3A_57 : memref<400x128xf32, #tpu.memory_space<hbm>>) target_semaphore(%run_scoped3A : memref<!tpu.dma_semaphore, #tpu.memory_space<semaphore_mem>>)
        %dma_wait3A_61 = arith.constant 9600 : i32
        %dma_wait3A_62 = arith.constant 0 : i32
        %dma_wait3A_63 = tpu.memref_slice %arg5[%arg0, %dma_wait3A_61, %dma_wait3A_62] : memref<2x10000x128xf32, #tpu.memory_space<hbm>> -> memref<1x400x128xf32, #tpu.memory_space<hbm>>
        %dma_wait3A_64 = tpu.memref_squeeze %dma_wait3A_63 : memref<1x400x128xf32, #tpu.memory_space<hbm>> -> memref<400x128xf32, #tpu.memory_space<hbm>>
        %dma_wait3A_65 = arith.constant 9600 : i32
        %dma_wait3A_66 = arith.constant 0 : i32
        %dma_wait3A_67 = tpu.memref_slice %arg10[%dma_wait3A_65, %dma_wait3A_66] : memref<10240x128xf32, #tpu.memory_space<vmem_shared>> -> memref<400x128xf32, #tpu.memory_space<vmem_shared>>
        tpu.wait_dma2 semaphore(%run_scoped3A : memref<!tpu.dma_semaphore, #tpu.memory_space<semaphore_mem>>) src(%dma_wait3A_67 : memref<400x128xf32, #tpu.memory_space<vmem_shared>>) dst(%dma_wait3A_64 : memref<400x128xf32, #tpu.memory_space<hbm>>)
        tpu.yield
      }) : () -> ()
    } else {
    }
    return
  }
}

module attributes {stable_mosaic.version = 14 : i64} {
  func.func @body(%arg0: i32, %arg1: memref<2x5000x128xf32, #tpu.memory_space<vmem>>, %arg2: memref<5000x128xf32, #tpu.memory_space<vmem>>) attributes {dimension_semantics = [#tpu.dimension_semantics<arbitrary>], iteration_bounds = array<i64: 2>, scalar_prefetch = 0 : i64, scratch_operands = 0 : i64, tpu.core_type = #tpu.core_type<tc>, window_params = [{transform_indices = @transform_0, window_bounds = array<i64: 2, 5000, 128>}, {transform_indices = @transform_1, window_bounds = array<i64: 5000, 128>}]} {
    %get3A = arith.constant 0 : index
    %get3A_0 = arith.constant 0 : index
    %get3A_1 = arith.constant 0 : index
    %get3A_2 = vector.load %arg1[%get3A, %get3A_0, %get3A_1] : memref<2x5000x128xf32, #tpu.memory_space<vmem>>, vector<1x5000x128xf32>
    %get3A_3 = vector.shape_cast %get3A_2 : vector<1x5000x128xf32> to vector<5000x128xf32>
    %get3A_4 = arith.constant 1 : index
    %get3A_5 = arith.constant 0 : index
    %get3A_6 = arith.constant 0 : index
    %get3A_7 = vector.load %arg1[%get3A_4, %get3A_5, %get3A_6] : memref<2x5000x128xf32, #tpu.memory_space<vmem>>, vector<1x5000x128xf32>
    %get3A_8 = vector.shape_cast %get3A_7 : vector<1x5000x128xf32> to vector<5000x128xf32>
    %add3A = arith.addf %get3A_3, %get3A_8 : vector<5000x128xf32>
    %swap3A = arith.constant 0 : index
    %swap3A_9 = arith.constant 0 : index
    %swap3A_10 = vector.load %arg2[%swap3A, %swap3A_9] : memref<5000x128xf32, #tpu.memory_space<vmem>>, vector<5000x128xf32>
    tpu.vector_store %arg2[%swap3A, %swap3A_9], %add3A {strides = array<i32>} : memref<5000x128xf32, #tpu.memory_space<vmem>>, vector<5000x128xf32>,
    return
  }
  func.func @transform_0(%arg0: i32) -> (i32, i32, i32) {
    %c0_i32 = arith.constant 0 : i32
    %c0_i32_0 = arith.constant 0 : i32
    %c0_i32_1 = arith.constant 0 : i32
    return %c0_i32, %arg0, %c0_i32_0 : i32, i32, i32
  }
  func.func @transform_1(%arg0: i32) -> (i32, i32) {
    %c0_i32 = arith.constant 0 : i32
    %c0_i32_0 = arith.constant 0 : i32
    return %arg0, %c0_i32 : i32, i32
  }
}

</mosaic_0001>

<sc_bundles>
// kernel: kernel.4.cloned.1.call-start
scs
__scs_entry_jumppad:
0x0: {  	(pc) =	sbr.rel $0x88, $3  }
0x1: {  	(tag) =	ssettag $0x0;
	lr =	simm.s32 $0x1  }
0x2: {  	[smem:$0x3F9F] =	sst lr;
	_ =	strace $0xD0000000  }
0x3: {  	_ = 	snop  }
0x4: {  	_ = 	snop  }
0x5: {  	_ = 	snop  }
0x6: {  	_ = 	snop  }
0x7: {  	_ = 	snop  }
__scs_overlays_trampoline_lowered:
0x8: {  	[smem:$0x3FAE] =	sst s0  }
0x9: {  	[smem:$0x3FAF] =	sst s1  }
0xa: {  	[smem:$0x3FB0] =	sst s2  }
0xb: {  	[smem:$0x3FB1] =	sst s3  }
0xc: {  	[smem:$0x3FB2] =	sst s4  }
0xd: {  	[smem:$0x3FB3] =	sst s5  }
0xe: {  	[smem:$0x3FB4] =	sst s6  }
0xf: {  	[smem:$0x3FB5] =	sst s7  }
0x10: {  	[smem:$0x3FB6] =	sst s8  }
0x11: {  	[smem:$0x3FB7] =	sst s9;
	s0 =	simm.s32 @!p0 $0x0  }
0x12: {  	s1 =	sld [smem:$0x3F9D];
	s0 =	simm.s32 @p0 $0x1  }
0x13: {  	[smem:$0x3FB8] =	sst s0;
	s0 =	simm.s32 @!p1 $0x0  }
0x14: {  	s2 =	sld [smem:$0x3F9C];
	s0 =	simm.s32 @p1 $0x1  }
0x15: {  	[smem:$0x3FB9] =	sst s0;
	s0 =	simm.s32 @!p2 $0x0  }
0x16: {  	s3 =	sld [smem:$0x3FDB];
	s0 =	simm.s32 @p2 $0x1  }
0x17: {  	s4 =	simm.s32 $0x1BF5;
	[smem:$0x3FBB] =	sst s0  }
0x18: {  	s0 =	sld [smem:$0x3F9E];
	_ =	swait.ge [sflag:s4], $0x0  }
0x19: {  	s7 =	sld [smem:$0x3F9F]  }
0x1a: {  	s8 =	sadd.s32 $0xFFFFE003, lr  }
0x1b: {  	s9 =	sadd.s32 $0xFFFFFEF7, lr;
	s5 =	simm.s32 $0xFFFFFFFF;
	p2 =	slt.u32 s8, $0xFFFFF086  }
0x1c: {  	p1 =	slt.u32 s9, $0xF7A;
	s5 =	simm.s32 @!p2 $0x0  }
0x1d: {  	s5 =	simm.s32 @p1 $0x1;
	p0 =	seq.s32 s7, s2  }
0x1e: {  	s7 =	smul.u32 @!p0 $0xF7A, s2;
	p2 =	seq.s32 @!p0 s5, $0x0  }
0x1f: {  	s9 =	smul.u32 $0xF7A, s1;
	s8 =	simm.s32 @!p0 $0x1BF5;
	p2 =	por !p2, p0  }
0x20: {  	[sflag:s8] =	ssyncset.s32 @!p0 $0xFFFFF086;
	s6 =	sadd.s32 @!p0 s3, s7;
	s7 =	simm.s32 @!p0 $0x108  }
0x21: {  	s3 =	sadd.s32 s3, s9;
	s6 =	sadd.s32 @!p0 $0x88, s6;
	s7 =	simm.s32 @p2 $0x1082  }
0x22: {  	[simem:s7], [sflag:s8] =	dma.local @!p0 [hbm:s6], $0xF7A  }
0x23: {  	s9 =	sor.u32 $0xD0000000, s2;
	s6 =	simm.s32 $0x108;
	_ =	swait.ge @!p0 [sflag:s8], $0x0  }
0x24: {  	s3 =	sadd.s32 $0x88, s3;
	s6 =	simm.s32 @!p1 $0x1082;
	[sflag:s4] =	ssyncset.s32 $0xFFFFF086  }
0x25: {  	[simem:s6], [sflag:s4] =	dma.local [hbm:s3], $0xF7A  }
0x26: {  	[smem:$0x3F9F] =	sst s1;
	(tag) =	ssettag s2;
	_ =	strace s9  }
0x27: {  	s1 =	sld [smem:$0x3FAF]  }
0x28: {  	s2 =	sld [smem:$0x3FB0]  }
0x29: {  	s4 =	sld [smem:$0x3FB2]  }
0x2a: {  	p0 =	seq.s32 s5, $0x0;
	s5 =	sld [smem:$0x3FB3]  }
0x2b: {  	s6 =	sld [smem:$0x3FB4]  }
0x2c: {  	s7 =	sld [smem:$0x3FB5]  }
0x2d: {  	s3 =	simm.s32 $0x108;
	s8 =	sld [smem:$0x3FB6]  }
0x2e: {  	s3 =	simm.s32 @!p0 $0x1082;
	s9 =	sld [smem:$0x3FB7]  }
0x2f: {  	lr =	sadd.s32 s0, s3;
	s0 =	sld [smem:$0x3FAE]  }
0x30: {  	s3 =	sld [smem:$0x3FB1]  }
0x31: {  	[smem:$0x3FBA] =	sst s10  }
0x32: {  	s10 =	sld [smem:$0x3FB8];
	_ =	sdelay $0x3  }
0x33: {  	p0 =	seq.s32 s10, $0x1;
	s10 =	sld [smem:$0x3FBA];
	_ =	sdelay $0x3  }
0x34: {  	[smem:$0x3FBA] =	sst s10  }
0x35: {  	s10 =	sld [smem:$0x3FB9];
	_ =	sdelay $0x3  }
0x36: {  	p1 =	seq.s32 s10, $0x1;
	s10 =	sld [smem:$0x3FBA];
	_ =	sdelay $0x3  }
0x37: {  	[smem:$0x3FBA] =	sst s10  }
0x38: {  	s10 =	sld [smem:$0x3FBB]  }
0x39: {  	_ = 	snop;
	(pc) =	sbr.ind lr, $3  }
0x3a: {  	_ = 	snop  }
0x3b: {  	_ = 	snop  }
0x3c: {  	p2 =	seq.s32 s10, $0x1;
	s10 =	sld [smem:$0x3FBA]  }
0x3d: {  	_ =	shalt  }
0x3e: {  	_ =	shalt  }
0x3f: {  	_ =	shalt  }
0x40: {  	_ =	shalt  }
0x41: {  	_ =	shalt  }
0x42: {  	_ =	shalt  }
0x43: {  	_ =	shalt  }
0x44: {  	_ =	shalt  }
0x45: {  	_ =	shalt  }
0x46: {  	_ =	shalt  }
0x47: {  	_ =	shalt  }
0x48: {  	_ =	shalt  }
0x49: {  	_ =	shalt  }
0x4a: {  	_ =	shalt  }
0x4b: {  	_ =	shalt  }
0x4c: {  	_ =	shalt  }
0x4d: {  	_ =	shalt  }
0x4e: {  	_ =	shalt  }
0x4f: {  	_ =	shalt  }
0x50: {  	_ =	shalt  }
0x51: {  	_ =	shalt  }
0x52: {  	_ =	shalt  }
0x53: {  	_ =	shalt  }
0x54: {  	_ =	shalt  }
0x55: {  	_ =	shalt  }
0x56: {  	_ =	shalt  }
0x57: {  	_ =	shalt  }
0x58: {  	_ =	shalt  }
0x59: {  	_ =	shalt  }
0x5a: {  	_ =	shalt  }
0x5b: {  	_ =	shalt  }
0x5c: {  	_ =	shalt  }
0x5d: {  	_ =	shalt  }
0x5e: {  	_ =	shalt  }
0x5f: {  	_ =	shalt  }
0x60: {  	_ =	shalt  }
0x61: {  	_ =	shalt  }
0x62: {  	_ =	shalt  }
0x63: {  	_ =	shalt  }
0x64: {  	_ =	shalt  }
0x65: {  	_ =	shalt  }
0x66: {  	_ =	shalt  }
0x67: {  	_ =	shalt  }
0x68: {  	_ =	shalt  }
0x69: {  	_ =	shalt  }
0x6a: {  	_ =	shalt  }
0x6b: {  	_ =	shalt  }
0x6c: {  	_ =	shalt  }
0x6d: {  	_ =	shalt  }
0x6e: {  	_ =	shalt  }
0x6f: {  	_ =	shalt  }
0x70: {  	_ =	shalt  }
0x71: {  	_ =	shalt  }
0x72: {  	_ =	shalt  }
0x73: {  	_ =	shalt  }
0x74: {  	_ =	shalt  }
0x75: {  	_ =	shalt  }
0x76: {  	_ =	shalt  }
0x77: {  	_ =	shalt  }
0x78: {  	_ =	shalt  }
0x79: {  	_ =	shalt  }
0x7a: {  	_ =	shalt  }
0x7b: {  	_ =	shalt  }
0x7c: {  	_ =	shalt  }
0x7d: {  	_ =	shalt  }
0x7e: {  	_ =	shalt  }
0x7f: {  	_ =	shalt  }
0x80: {  	_ =	shalt  }
0x81: {  	_ =	shalt  }
0x82: {  	_ =	shalt  }
0x83: {  	_ =	shalt  }
0x84: {  	_ =	shalt  }
0x85: {  	_ =	shalt  }
0x86: {  	_ =	shalt  }
0x87: {  	_ =	shalt  }
.Lfunc_end0:
.L_simem_size_0:
called_computation_lowered:
.L_overlay_start_0:
0x88: {  	s2 =	sld [smem:$0x3FD9]  }
0x89: {  	s3 =	sld [smem:$0x3FFE];
	_ =	sdelay $0x1  }
0x8a: {  	s1 =	srdreg.scid  }
0x8b: {  	s0 =	sand.u32 $0x1, s1  }
0x8c: {  	s17 =	sshll.u32 s0, $0xA;
	s2 =	sadd.s32 s3, s2  }
0x8d: {  	s2 =	sadd.s32 s2, s17  }
0x8e: {  	[smem:$0x3FC6] =	sst s2  }
0x8f: {  	_ = 	snop  }
0x90: {  	s2 =	sld [smem:$0x3FC9]  }
0x91: {  	s18 =	sld [smem:$0x3FD0];
	(tm) =	ssettm $0x1  }
0x92: {  	s4 =	sld [smem:$0x3FFB];
	_ =	sdelay $0x3  }
0x93: {  	_ =	strace s4  }
0x94: {  	s4 =	sld [smem:$0x3FFC];
	_ =	sdelay $0x3  }
0x95: {  	_ =	strace s4  }
0x96: {  	s4 =	sld [smem:$0x3FFD];
	_ =	sdelay $0x3  }
0x97: {  	_ =	strace s4  }
0x98: {  	_ =	strace $0x8FFFFFFF  }
0x99: {  	s19 =	sld [smem:$0x3FDB];
	_ =	sdelay $0x1  }
0x9a: {  	s5 =	simm.s32 $_scs_section_size  }
0x9b: {  	s6 =	simm.s32 $_size__tile_overlayer_lowered;
	s7 =	simm.s32 $_tile_overlayer_lowered  }
0x9c: {  	s22 =	simm.s32 $0x1BFF;
	s21 =	sshll.u32 s7, $0x1;
	s4 =	sadd.s32 s5, s19  }
0x9d: {  	s8 =	simm.s32 $0x0;
	s20 =	sshll.u32 s6, $0x1;
	s6 =	sadd.s32 s21, s4  }
0x9e: {  	[timem:s8], [sflag:s22] =	dma.local [hbm:s6], s20  }
0x9f: {  	_ =	swait.ge [sflag:s22], s20  }
0xa0: {  	s5 =	ssub.s32 $0x0, s20;
	[sflag:s22] =	ssyncset.done $0x0  }
0xa1: {  	[sflag:s22] =	ssyncadd.s32 s5;
	_ =	sdelay $0x1  }
0xa2: {  	s23 =	simm.s32 $0x1B8B  }
0xa3: {  	_ =	swait.ge [sflag:s23], $0x1  }
0xa4: {  	[sflag:s23] =	ssyncset.done $0x0  }
0xa5: {  	s25 =	simm.s32 $0x1B8E;
	s24 =	sld [smem:$0x3FFE];
	[sflag:s23] =	ssyncadd.s32 $0xFFFFFFFF  }
0xa6: {  	s26 =	simm.s32 $execute0_lowered;
	[smem:$0x3FD2] =	sst s25  }
0xa7: {  	s6 =	sshll.u32 s26, $0x1;
	_ =	strace $0x80000046;
	[dreg:$0x1] =	wrdreg $0xFFFFFFFF  }
0xa8: {  	s28 =	simm.s32 $_size_execute0_lowered;
	s4 =	sadd.s32 s4, s6;
	[dreg:$0x0] =	wrdreg $0x0  }
0xa9: {  	s6 =	sshll.u32 s28, $0x1;
	[dreg:$0x2] =	wrdreg s4  }
0xaa: {  	[dreg:$0x3] =	wrdreg s6  }
0xab: {  	[dreg:$0x4] =	wrdreg $0xC0  }
0xac: {  	_ =	task [dreg:s8], $0x5FFFF  }
0xad: {  	[dreg:$0x1] =	wrdreg $0xFFFFFFFF  }
0xae: {  	[dreg:$0x0] =	wrdreg $0x60  }
0xaf: {  	[dreg:$0x2] =	wrdreg s2  }
0xb0: {  	[dreg:$0x3] =	wrdreg s18  }
0xb1: {  	[dreg:$0x4] =	wrdreg s24  }
0xb2: {  	[dreg:$0x5] =	wrdreg $0xB8000  }
0xb3: {  	[dreg:$0x6] =	wrdreg $0x9  }
0xb4: {  	_ =	task.clear_ibuf [dreg:s8], $0x7FFFF;
	_ =	strace $0x90000046  }
0xb5: {  	s29 =	simm.s32 $0x9;
	_ =	strace $0x80000048  }
0xb6: {  	_ =	swait.ge [sflag:s29], $0x1  }
0xb7: {  	[sflag:s29] =	ssyncadd.s32 $0xFFFFFFFF  }
0xb8: {  	_ =	strace $0x90000048  }
0xb9: {  	_ =	sfence  }
0xba: {  	s30 =	sld [smem:$0x0];
	_ =	sdelay $0x2  }
0xbb: {  	s31 =	sshll.u32 s1, $0xD;
	s1 =	sshrl.u32 s1, $0x2  }
0xbc: {  	s3 =	sand.u32 $0x4000, s31;
	s1 =	sadd.s32 s1, s30  }
0xbd: {  	s0 =	sor.u32 s3, s0;
	s1 =	sshll.u32 s1, $0x11  }
0xbe: {  	s0 =	sor.u32 s1, s0  }
0xbf: {  	s0 =	sadd.s32 $0x8F2B, s0  }
0xc0: {  	[sflag:s0] =	ssyncadd.remote.s32 $0x1  }
0xc1: {  	_ =	sfence.sel $0xFFFF  }
0xc2: {  	[dreg:$0x0] =	wrdreg $0xFFFFFFFF;
	(pc) =	sbr.abs _section_cstart, $3  }
0xc3: {  	[dreg:$0x1] =	wrdreg $0xFFFFFFFF  }
0xc4: {  	_ =	task.clear_ibuf [dreg:s8], $0x2FFFF;
	_ =	strace $0x9FFFFFFF  }
0xc5: {  	(tm) =	ssettm $0x7FFFFFFF  }
tec
execute0_lowered:
.L_overlay_start_1:
0x0: {  	(tag) =	ssettag $0x1  }
0x1: {  	s0 =	rddreg [dreg:$0x0]  }
0x2: {  	s1 =	rddreg [dreg:$0x1];
	s2 =	srdreg.scid  }
0x3: {  	s5 =	rddreg [dreg:$0x2];
	s25 =	stileid.u32  }
0x4: {  	s3 =	simm.s32 $0x0;
	s30 =	simm.s32 $0x6;
	s31 =	simm.s32 $0x0  }
0x5: {  	s11 =	sand.u32 $0x1, s2;
	s2 =	rddreg [dreg:$0x3];
	s13 =	smul.u32 $0x50000, s25  }
0x6: {  	[smem:$0x7FF] =	sst s3;
	s17 =	sadd.s32 $0x600, s5;
	s16 =	smul.u32 $0x14000, s25  }
0x7: {  	s12 =	sadd.s32 $0x2E00, s5;
	s24 =	sshll.u32 s25, $0x6;
	s29 =	smul.u32 $0x27100, s25  }
0x8: {  	p0 =	seq.s32 s25, $0xF;
	s4 =	sshll.u32 s11, $0x4;
	_ =	strace $0x80000047  }
0x9: {  	[dreg:$0x5] =	wrdreg s17;
	s18 =	ssub.s32 $0x2, s11;
	s23 =	smul.u32 $0x138800, s11  }
0xa: {  	s28 =	smul.u32 $0x271000, s11;
	s17 =	simm.s32 $0x9000;
	s8 =	sor.u32 s25, s4  }
0xb: {  	s9 =	sshrl.u32 s18, $0x1;
	s22 =	sshrl.u32 s13, $0x2;
	s6 =	smul.u32 $0x138800, s8  }
0xc: {  	s7 =	smul.u32 $0x27100, s8;
	s14 =	ssub.s32 s18, s9;
	s15 =	sshll.u32 s8, $0xB  }
0xd: {  	s8 =	sadd.s32 s22, s2;
	s9 =	sor.u32 $0x1C07, s24;
	s26 =	sadd.s32 s16, s23  }
0xe: {  	s13 =	sshrl.u32 s23, $0x3;
	s16 =	simm.s32 $0x6800;
	s22 =	simm.s32 $0x2  }
0xf: {  	s23 =	simm.s32 $0x4;
	s24 =	simm.s32 $0x3;
	s13 =	sadd.s32 s12, s13  }
0x10: {  	s18 =	sshrl.u32 s8, $0x3;
	s6 =	sshrl.u32 s6, $0x3;
	s19 =	sadd.s32 s0, s7  }
0x11: {  	s10 =	sadd.s32 s0, s6;
	[dreg:$0x6] =	wrdreg s19;
	s0 =	sadd.s32 s28, s0  }
0x12: {  	s19 =	simm.s32 $0x7;
	s20 =	sadd.s32 $0x500, s10;
	s21 =	sadd.s32 $0xA00, s10  }
0x13: {  	s10 =	sadd.s32 s1, s15;
	s1 =	sshrl.u32 s26, $0x3;
	s0 =	sadd.s32 s29, s0  }
0x14: {  	s15 =	simm.s32 $0x4000;
	s26 =	simm.s32 $0x5;
	[dreg:$0x7] =	wrdreg s20  }
0x15: {  	[dreg:$0x8] =	wrdreg s21;
	s11 =	sadd.s32 s12, s1;
	s12 =	sadd.s32 $0x25800, s13  }
0x16: {  	s1 =	sadd.s32 $0x12C000, s2;
	s13 =	smax.u32 s14, $0x1;
	s14 =	sadd.s32 $0xA00, s0  }
0x17: {  	s20 =	simm.s32 $0x1;
	s21 =	simm.s32 $0x50;
	s25 =	sshrl.u32 @p0 s1, $0x3  }
.LBB2_1:
0x18: {  	s0 =	rddreg [dreg:$0x6]  }
0x19: {  	s6 =	rddreg [dreg:$0x7]  }
0x1a: {  	[tilespmem:s15], [sflag:$0x1] =	stream.linear.gather [hbm4b:s0+s3], $0x2800, $0x38;
	[tilespmem:$0x1F800] =	vst v63  }
0x1b: {  	s7 =	rddreg [dreg:$0x8]  }
0x1c: {  	[tilespmem:s16], [sflag:$0x2] =	stream.linear.gather [hbm4b:s6+s3], $0x2800, $0x38;
	[tilespmem:$0x1F800] =	vst v63  }
0x1d: {  	s1 =	rddreg [dreg:$0x5]  }
0x1e: {  	[tilespmem:s17], [sflag:$0x3] =	stream.linear.gather [hbm4b:s7+s3], $0x2800, $0x38;
	[tilespmem:$0x1F800] =	vst v63  }
0x1f: {  	[spmem:s18], [sflag:s9] =	dma.local [hbm:s1], $0x2800  }
0x20: {  	_ =	swait.ge [sflag:s19], $0x2800  }
0x21: {  	[sflag:s19] =	ssyncset.done $0x0  }
0x22: {  	[sflag:s19] =	ssyncadd.s32 $0xFFFFD800  }
0x23: {  	[tilespmem:s3], [sflag:$0x7] =	stream.linear.gather [hbm4b:s10+s3], $0x3E80, $0x38;
	[tilespmem:$0x1F800] =	vst v63  }
0x24: {  	_ =	swait.ge [sflag:s19], $0x3E80  }
0x25: {  	[sflag:s19] =	ssyncset.done $0x0  }
0x26: {  	[sflag:s19] =	ssyncadd.s32 $0xFFFFC180  }
0x27: {  	p1 =	por $0x1, $0x1;
	[bflag:$0x0] =	sbarrier.arrive $0xFFFF  }
0x28: {  	p2 =	por @!p1 $0x0, $0x0;
	_ =	swait.ge [sflag:s20], $0x2800  }
0x29: {  	p1 =	por p2, p1;
	[sflag:s20] =	ssyncset.done $0x0  }
0x2a: {  	s4 =	simm.s32 $0x0;
	s1 =	simm.s32 @!p1 $0x6;
	[sflag:s20] =	ssyncadd.s32 $0xFFFFD800  }
0x2b: {  	[spmem:s2] =	stream.indirect.scatter.add.f32 [tilespmem:s15], [sflag:$0x4], $0x80, s4, s21, $0xb8;
	[tilespmem:$0x1F800] =	vst v63  }
0x2c: {  	_ =	swait.ge @!p1 [sflag:s1], $0x2800  }
0x2d: {  	[sflag:s1] =	ssyncset.done @!p1 $0x0  }
0x2e: {  	s0 =	simm.s32 @!p1 $0x0;
	s28 =	simm.s32 @!p1 $0x9000;
	[sflag:s1] =	ssyncadd.s32 @!p1 $0xFFFFD800  }
0x2f: {  	[tilespmem:s28], [sflag:$0x3] =	stream.linear.gather @!p1 [hbm4b:s14+s0], $0x2800, $0x38;
	[tilespmem:$0x1F800] =	vst v63  }
0x30: {  	_ =	swait.ge [sflag:s22], $0x2800  }
0x31: {  	[sflag:s22] =	ssyncset.done $0x0  }
0x32: {  	s5 =	simm.s32 $0x80;
	[sflag:s22] =	ssyncadd.s32 $0xFFFFD800  }
0x33: {  	[spmem:s2] =	stream.indirect.scatter.add.f32 [tilespmem:s16], [sflag:$0x5], $0x80, s5, s21, $0xb8;
	[tilespmem:$0x1F800] =	vst v63  }
0x34: {  	_ =	swait.ge [sflag:s23], $0x2800  }
0x35: {  	[sflag:s23] =	ssyncset.done $0x0  }
0x36: {  	s6 =	sadd.s32 $0x500, s14;
	[sflag:s23] =	ssyncadd.s32 $0xFFFFD800  }
0x37: {  	[tilespmem:s15], [sflag:$0x1] =	stream.linear.gather [hbm4b:s6+s3], $0x2800, $0x38;
	[tilespmem:$0x1F800] =	vst v63  }
0x38: {  	_ =	swait.ge [sflag:s24], $0x2800  }
0x39: {  	[sflag:s24] =	ssyncset.done $0x0  }
0x3a: {  	s7 =	simm.s32 $0x100;
	[sflag:s24] =	ssyncadd.s32 $0xFFFFD800  }
0x3b: {  	[spmem:s2] =	stream.indirect.scatter.add.f32 [tilespmem:s17], [sflag:$0x6], $0x80, s7, s21, $0xb8;
	[tilespmem:$0x1F800] =	vst v63  }
0x3c: {  	s29 =	sadd.s32 $0xA00, s14;
	s1 =	sadd.s32 $0xF00, s14;
	_ =	swait.ge [sflag:s26], $0x2800  }
0x3d: {  	s0 =	simm.s32 $0x600;
	s28 =	simm.s32 $0x1;
	[sflag:s26] =	ssyncset.done $0x0  }
.LBB2_2:
0x3e: {  	p2 =	seq.s32 s28, $0x0;
	[sflag:s26] =	ssyncadd.s32 $0xFFFFD800  }
0x3f: {  	s4 =	smov.u32 s0;
	s0 =	sadd.s32 $0x600, s0;
	s5 =	smov.u32 s1  }
0x40: {  	[tilespmem:s16], [sflag:$0x2] =	stream.linear.gather [hbm4b:s29+s3], $0x2800, $0x38;
	[tilespmem:$0x1F800] =	vst v63  }
0x41: {  	p3 =	seq.s32 @!p2 s28, $0x29;
	p1 =	sne.s32 s0, $0xF600;
	_ =	swait.ge [sflag:s20], $0x2800  }
0x42: {  	s4 =	sshra.s32 s4, $0x2;
	p2 =	por p3, p2;
	[sflag:s20] =	ssyncset.done $0x0  }
0x43: {  	s29 =	simm.s32 @!p2 $0x6;
	[sflag:s20] =	ssyncadd.s32 $0xFFFFD800  }
0x44: {  	[spmem:s2] =	stream.indirect.scatter.add.f32 [tilespmem:s15], [sflag:$0x4], $0x80, s4, s21, $0xb8;
	[tilespmem:$0x1F800] =	vst v63  }
0x45: {  	_ =	swait.ge @!p2 [sflag:s29], $0x2800  }
0x46: {  	s6 =	simm.s32 @!p2 $0x0;
	s7 =	simm.s32 @!p2 $0x9000;
	[sflag:s29] =	ssyncset.done @!p2 $0x0  }
0x47: {  	[sflag:s29] =	ssyncadd.s32 @!p2 $0xFFFFD800  }
0x48: {  	[tilespmem:s7], [sflag:$0x3] =	stream.linear.gather @!p2 [hbm4b:s1+s6], $0x2800, $0x38;
	[tilespmem:$0x1F800] =	vst v63  }
0x49: {  	_ =	swait.ge [sflag:s22], $0x2800  }
0x4a: {  	s6 =	sadd.s32 $0x80, s4;
	[sflag:s22] =	ssyncset.done $0x0  }
0x4b: {  	[sflag:s22] =	ssyncadd.s32 $0xFFFFD800  }
0x4c: {  	[spmem:s2] =	stream.indirect.scatter.add.f32 [tilespmem:s16], [sflag:$0x5], $0x80, s6, s21, $0xb8;
	[tilespmem:$0x1F800] =	vst v63  }
0x4d: {  	_ =	swait.ge [sflag:s23], $0x2800  }
0x4e: {  	s6 =	sadd.s32 $0x500, s1;
	[sflag:s23] =	ssyncset.done $0x0  }
0x4f: {  	[sflag:s23] =	ssyncadd.s32 $0xFFFFD800  }
0x50: {  	[tilespmem:s15], [sflag:$0x1] =	stream.linear.gather [hbm4b:s6+s3], $0x2800, $0x38;
	[tilespmem:$0x1F800] =	vst v63  }
0x51: {  	_ =	swait.ge [sflag:s24], $0x2800  }
.Ltmp0:
0x52: {  	s4 =	sadd.s32 $0x100, s4;
	[sflag:s24] =	ssyncset.done $0x0;
	(pc) =	sbr.rel @p1 .LBB2_2-.Ltmp0, $4  }
0x53: {  	[sflag:s24] =	ssyncadd.s32 $0xFFFFD800  }
0x54: {  	[spmem:s2] =	stream.indirect.scatter.add.f32 [tilespmem:s17], [sflag:$0x6], $0x80, s4, s21, $0xb8;
	[tilespmem:$0x1F800] =	vst v63  }
0x55: {  	s1 =	sadd.s32 $0xF00, s1;
	_ =	swait.ge [sflag:s26], $0x2800  }
0x56: {  	s28 =	sadd.s32 $0x1, s28;
	s29 =	sadd.s32 $0xA00, s5;
	[sflag:s26] =	ssyncset.done $0x0  }
0x57: {  	[sflag:s26] =	ssyncadd.s32 $0xFFFFD800  }
0x58: {  	[tilespmem:s16], [sflag:$0x2] =	stream.linear.gather [hbm4b:s29+s3], $0x2800, $0x38;
	[tilespmem:$0x1F800] =	vst v63  }
0x59: {  	_ =	swait.ge [sflag:s20], $0x2800  }
0x5a: {  	[sflag:s20] =	ssyncset.done $0x0  }
0x5b: {  	s0 =	simm.s32 $0x3D80;
	[sflag:s20] =	ssyncadd.s32 $0xFFFFD800  }
0x5c: {  	[spmem:s2] =	stream.indirect.scatter.add.f32 [tilespmem:s15], [sflag:$0x4], $0x80, s0, s21, $0xb8;
	[tilespmem:$0x1F800] =	vst v63  }
0x5d: {  	_ =	swait.ge [sflag:s22], $0x2800  }
0x5e: {  	[sflag:s22] =	ssyncset.done $0x0  }
0x5f: {  	s29 =	simm.s32 $0x3E00;
	[sflag:s22] =	ssyncadd.s32 $0xFFFFD800  }
0x60: {  	[spmem:s2] =	stream.indirect.scatter.add.f32 [tilespmem:s16], [sflag:$0x5], $0x80, s29, s21, $0xb8;
	[tilespmem:$0x1F800] =	vst v63  }
0x61: {  	_ =	swait.ge [sflag:s23], $0x2800  }
0x62: {  	[sflag:s23] =	ssyncset.done $0x0  }
0x63: {  	[sflag:s23] =	ssyncadd.s32 $0xFFFFD800  }
0x64: {  	_ =	swait.ge [sflag:s26], $0x2800  }
0x65: {  	[sflag:s26] =	ssyncset.done $0x0  }
0x66: {  	[sflag:s26] =	ssyncadd.s32 $0xFFFFD800  }
0x67: {  	_ =	swait.ge [sflag:s30], $0x2800  }
0x68: {  	[sflag:s30] =	ssyncset.done $0x0  }
0x69: {  	[sflag:s30] =	ssyncadd.s32 $0xFFFFD800  }
0x6a: {  	s0 =	simm.s32 @p0 $0x7;
	[bflag:$0x0] =	sbarrier.arrive $0xFFFF  }
0x6b: {  	[hbm:s12], [sflag:s9] =	dma.local @p0 [spmem:s25], $0x1900  }
0x6c: {  	_ =	swait.ge @p0 [sflag:s0], $0x1900  }
0x6d: {  	s31 =	sadd.s32 $0x1, s31;
	[sflag:s0] =	ssyncset.done @p0 $0x0  }
0x6e: {  	p1 =	sne.s32 s31, s13;
	[sflag:s0] =	ssyncadd.s32 @p0 $0xFFFFE700;
	s0 =	sshrl.u32 @!p0 s8, $0x3  }
0x6f: {  	[hbm:s11], [sflag:s9] =	dma.local @!p0 [spmem:s0], $0x2800  }
.Ltmp1:
0x70: {  	_ = 	snop;
	(pc) =	sbr.rel @p1 .LBB2_1-.Ltmp1, $4  }
0x71: {  	s0 =	simm.s32 @!p0 $0x7  }
0x72: {  	_ =	swait.ge @!p0 [sflag:s0], $0x2800  }
0x73: {  	[sflag:s0] =	ssyncset.done @!p0 $0x0  }
0x74: {  	[sflag:s0] =	ssyncadd.s32 @!p0 $0xFFFFD800  }
0x75: {  	_ =	sfence.sel $0x180000  }
0x76: {  	[bflag:$0x0] =	sbarrier.arrive $0xFFFF  }
0x77: {  	_ =	strace $0x90000047  }
0x78: {  	s0 =	stileid.u32;
	[bflag:$0x2] =	sbarrier.arrive $0xFFFF  }
0x79: {  	p0 =	sne.s32 s0, $0x0;
	s0 =	rddreg [dreg:$0x4]  }
0x7a: {  	s0 =	sadd.s32 @!p0 $0x100000, s0  }
0x7b: {  	[sflag:s0] =	ssyncadd.tile.s32 @!p0 $0x1;
	_ =	shalt  }
.Lfunc_end2:
_tile_overlayer_lowered:
.L_overlay_start_2:
0x7c: {  	(tag) =	ssettag $0x2  }
0x7d: {  	s0 =	rddreg [dreg:$0x0];
	s2 =	stileid.u32  }
0x7e: {  	s1 =	rddreg [dreg:$0x1];
	p0 =	sne.s32 s2, $0x0  }
0x7f: {  	s3 =	rddreg [dreg:$0x2];
	[bflag:$0x3] =	sbarrier.arrive $0xFFFF;
	s2 =	simm.s32 @!p0 $0x1C07  }
0x80: {  	[timem:s3], [sflag:s2] =	dma.local @!p0 [hbm:s0], s1  }
0x81: {  	s0 =	simm.s32 @!p0 $0x7  }
0x82: {  	_ =	swait.ge @!p0 [sflag:s0], s1  }
0x83: {  	s1 =	ssub.s32 @!p0 $0x0, s1;
	[sflag:s0] =	ssyncset.done @!p0 $0x0  }
0x84: {  	[sflag:s0] =	ssyncadd.s32 @!p0 s1  }
0x85: {  	[bflag:$0x3] =	sbarrier.arrive $0xFFFF  }
0x86: {  	_ =	shalt  }

</sc_bundles>
